<compile_context>
chip_gen: v7x
topology: tpu7x:2x2x1
jax: 0.10.2.dev20260603
libtpu: 0.0.44.dev20260713+nightly
codegen_flags: <defaults>
</compile_context>

<pallas_src>
import functools

import jax
import jax.numpy as jnp
from jax import lax
from jax.experimental import pallas as pl
from jax.experimental.pallas import tpu as pltpu
from jax.experimental.pallas import tpu_sc as plsc

N_NODES = 10000
N_PAD = 10000
N_EDGES = 320000
D = 128
NC = 2
NS = 16
NW = NC * NS
EPW = N_EDGES // NW
CHUNK = 125
NCHUNK = EPW // CHUNK
RPT = N_PAD // NS
LANES = 16

_mesh = plsc.VectorSubcoreMesh(core_axis_name="c", subcore_axis_name="s")

_sc_params = pltpu.CompilerParams(needs_layout_passes=False,
                                  use_tc_tiling_on_sc=False)
_sc_params_tc = pltpu.CompilerParams(needs_layout_passes=False,
                                     use_tc_tiling_on_sc=True)


def _counts_body(src_hbm, dst_hbm, out_hbm, src_v, dst_v, cd_v, cs_v, cl_v, sem):
    cid = lax.axis_index("c")
    sid = lax.axis_index("s")
    wid = cid * NS + sid

    zeros16 = jnp.zeros((LANES,), jnp.float32)

    @pl.loop(0, N_PAD // LANES)
    def _zero(i):
        cd_v[0, pl.ds(i * LANES, LANES)] = zeros16
        cs_v[0, pl.ds(i * LANES, LANES)] = zeros16
        cl_v[0, pl.ds(i * LANES, LANES)] = zeros16

    cp1 = pltpu.async_copy(src_hbm.at[pl.ds(wid * EPW, EPW)], src_v, sem)
    cp2 = pltpu.async_copy(dst_hbm.at[pl.ds(wid * EPW, EPW)], dst_v, sem)
    cp1.wait()
    cp2.wait()

    ones16 = jnp.ones((LANES,), jnp.float32)
    zeros16i = jnp.zeros((LANES,), jnp.int32)

    @pl.loop(0, EPW // LANES)
    def _count(i):
        s16 = src_v[pl.ds(i * LANES, LANES)]
        d16 = dst_v[pl.ds(i * LANES, LANES)]
        neq = s16 != d16
        plsc.addupdate_scatter(cd_v, [zeros16i, d16], ones16, mask=neq)
        plsc.addupdate_scatter(cs_v, [zeros16i, s16], ones16, mask=neq)
        plsc.addupdate_scatter(cl_v, [zeros16i, d16], ones16,
                               mask=jnp.logical_not(neq))

    pltpu.sync_copy(cd_v, out_hbm.at[0, pl.ds(wid, 1)])
    pltpu.sync_copy(cs_v, out_hbm.at[1, pl.ds(wid, 1)])
    pltpu.sync_copy(cl_v, out_hbm.at[2, pl.ds(wid, 1)])


@jax.jit
def _sc_counts(src_flat, dst_flat):
    return pl.kernel(
        _counts_body,
        out_type=jax.ShapeDtypeStruct((3, NW, N_PAD), jnp.float32),
        mesh=_mesh,
        scratch_types=[
            pltpu.VMEM((EPW,), jnp.int32),
            pltpu.VMEM((EPW,), jnp.int32),
            pltpu.VMEM((1, N_PAD), jnp.float32),
            pltpu.VMEM((1, N_PAD), jnp.float32),
            pltpu.VMEM((1, N_PAD), jnp.float32),
            pltpu.SemaphoreType.DMA,
        ],
        compiler_params=_sc_params_tc,
    )(src_flat, dst_flat)


NCHUNK = EPW // CHUNK

NBUF = 8
DEPTH = NBUF // 2


def _agg_body(y_hbm, src_hbm, dst_hbm, zero_hbm, out_hbm,
              src_v, dst_v, *rest):
    bufs = rest[:NBUF]
    acc_sh, semg, sems, semz = rest[NBUF:]
    cid = lax.axis_index("c")
    sid = lax.axis_index("s")
    wid = cid * NS + sid

    zcp = pltpu.async_copy(zero_hbm, acc_sh.at[pl.ds(sid * RPT, RPT)], semz)
    cp1 = pltpu.async_copy(src_hbm.at[wid], src_v, sem=semg)
    cp2 = pltpu.async_copy(dst_hbm.at[wid], dst_v, sem=semg)
    cp1.wait()
    cp2.wait()
    zcp.wait()
    plsc.subcore_barrier()

    def gather(j, b):
        pltpu.async_copy(y_hbm.at[src_v.at[j]], bufs[b], semg)

    def drain_gather(j, b):
        pltpu.make_async_copy(y_hbm.at[src_v.at[j]], bufs[b], semg).wait()

    def scatter(j, b):
        pltpu.async_copy(bufs[b], acc_sh.at[dst_v.at[j]], sems, add=True)

    def drain_scatter(j, b):
        pltpu.make_async_copy(bufs[b], acc_sh.at[dst_v.at[j]], sems).wait()

    for b in range(DEPTH):
        gather(b, b)

    @pl.loop(0, NCHUNK, step=NBUF)
    def _edges(base):
        for b in range(NBUF):
            j = base + b
            bn = (b + DEPTH) % NBUF

            @pl.when(j >= DEPTH)
            def _():
                drain_scatter(j - DEPTH, bn)

            @pl.when(j + DEPTH < NCHUNK)
            def _():
                gather(j + DEPTH, bn)

            drain_gather(j, b)
            scatter(j, b)

    for k in range(DEPTH):
        j = NCHUNK - DEPTH + k
        drain_scatter(j, j % NBUF)

    plsc.subcore_barrier()
    pltpu.sync_copy(acc_sh.at[pl.ds(sid * RPT, RPT)],
                    out_hbm.at[cid].at[pl.ds(sid * RPT, RPT)])


@jax.jit
def _sc_agg(y_bf16, src_r, dst_r, zero_rows):
    return pl.kernel(
        _agg_body,
        out_type=jax.ShapeDtypeStruct((NC, N_PAD, D), jnp.bfloat16),
        mesh=_mesh,
        scratch_types=[
            pltpu.VMEM((NCHUNK, CHUNK), jnp.int32),
            pltpu.VMEM((NCHUNK, CHUNK), jnp.int32),
        ] + [pltpu.VMEM((CHUNK, D), jnp.bfloat16)] * NBUF + [
            pltpu.VMEM_SHARED((N_PAD, D), jnp.bfloat16),
            pltpu.SemaphoreType.DMA,
            pltpu.SemaphoreType.DMA,
            pltpu.SemaphoreType.DMA,
        ],
        compiler_params=_sc_params,
    )(y_bf16, src_r, dst_r, zero_rows)


BP = 2000


def _prep_body(cnt_ref, x_ref, y_ref, a_ref, b_ref, g_ref):
    cnt = jnp.sum(cnt_ref[...], axis=1)
    deg = jnp.maximum(cnt[0], 1.0)
    deg_s = jnp.maximum(cnt[1], 1.0)
    cself = cnt[2]
    dinv = lax.rsqrt(deg)
    dinv_s = lax.rsqrt(deg_s)
    a_ref[...] = dinv[:, None]
    b_ref[...] = dinv_s[:, None]
    g_ref[...] = (cself * dinv * dinv_s)[:, None]
    y_ref[...] = (x_ref[...] * dinv_s[:, None]).astype(jnp.bfloat16)


@jax.jit
def _tc_prep(cnt_parts, x_pad):
    return pl.pallas_call(
        _prep_body,
        grid=(1,),
        in_specs=[
            pl.BlockSpec((3, NW, N_PAD), lambda i: (0, 0, 0)),
            pl.BlockSpec((N_PAD, D), lambda i: (0, 0)),
        ],
        out_specs=[
            pl.BlockSpec((N_PAD, D), lambda i: (0, 0)),
            pl.BlockSpec((N_PAD, 1), lambda i: (0, 0)),
            pl.BlockSpec((N_PAD, 1), lambda i: (0, 0)),
            pl.BlockSpec((N_PAD, 1), lambda i: (0, 0)),
        ],
        out_shape=[
            jax.ShapeDtypeStruct((N_PAD, D), jnp.bfloat16),
            jax.ShapeDtypeStruct((N_PAD, 1), jnp.float32),
            jax.ShapeDtypeStruct((N_PAD, 1), jnp.float32),
            jax.ShapeDtypeStruct((N_PAD, 1), jnp.float32),
        ],
    )(cnt_parts, x_pad)


def _layer_body(h_ref, s_ref, a_ref, b_ref, g_ref, w1_ref, w2_ref,
                bias_ref, o_ref, y_ref, *, last):
    h = h_ref[...]
    ssum = s_ref[0].astype(jnp.float32) + s_ref[1].astype(jnp.float32)
    agg = a_ref[...] * ssum - g_ref[...] * h
    u = h + agg
    v = h * agg
    bf = jnp.bfloat16
    o = (jnp.dot(u.astype(bf), w1_ref[...].astype(bf),
                 preferred_element_type=jnp.float32)
         + jnp.dot(v.astype(bf), w2_ref[...].astype(bf),
                   preferred_element_type=jnp.float32)
         + bias_ref[...])
    if not last:
        o = jnp.where(o > 0, o, 0.01 * o)
        y_ref[...] = (o * b_ref[...]).astype(jnp.bfloat16)
    o_ref[...] = o


@functools.partial(jax.jit, static_argnames=("last",))
def _tc_layer(h, s, alpha, beta, gamma, w1, w2, bias, *, last):
    grid = (N_PAD // BP,)
    out_shape = [jax.ShapeDtypeStruct((N_PAD, D), jnp.float32)]
    out_specs = [pl.BlockSpec((BP, D), lambda i: (i, 0))]
    if not last:
        out_shape.append(jax.ShapeDtypeStruct((N_PAD, D), jnp.bfloat16))
        out_specs.append(pl.BlockSpec((BP, D), lambda i: (i, 0)))
    else:
        out_shape.append(jax.ShapeDtypeStruct((8, 128), jnp.float32))
        out_specs.append(pl.BlockSpec((8, 128), lambda i: (0, 0)))
    return pl.pallas_call(
        functools.partial(_layer_body, last=last),
        grid=grid,
        in_specs=[
            pl.BlockSpec((BP, D), lambda i: (i, 0)),
            pl.BlockSpec((NC, BP, D), lambda i: (0, i, 0)),
            pl.BlockSpec((BP, 1), lambda i: (i, 0)),
            pl.BlockSpec((BP, 1), lambda i: (i, 0)),
            pl.BlockSpec((BP, 1), lambda i: (i, 0)),
            pl.BlockSpec((D, D), lambda i: (0, 0)),
            pl.BlockSpec((D, D), lambda i: (0, 0)),
            pl.BlockSpec((1, D), lambda i: (0, 0)),
        ],
        out_specs=out_specs,
        out_shape=out_shape,
    )(h, s, alpha, beta, gamma, w1, w2, bias)


def kernel(inputs, edge_index, W1a, b1a, W2a, b2a, W1b, b1b, W2b, b2b):
    src = edge_index[0].astype(jnp.int32)
    dst = edge_index[1].astype(jnp.int32)
    src_r = src.reshape(NW, NCHUNK, CHUNK)
    dst_r = dst.reshape(NW, NCHUNK, CHUNK)
    zero_rows = jnp.zeros((RPT, D), jnp.bfloat16)
    x_pad = inputs

    cnt_parts = _sc_counts(src, dst)
    y1, alpha, beta, gamma = _tc_prep(cnt_parts, x_pad)

    bias_a = (b1a + b2a).reshape(1, D)
    bias_b = (b1b + b2b).reshape(1, D)

    s1 = _sc_agg(y1, src_r, dst_r, zero_rows)
    h1, y2 = _tc_layer(x_pad, s1, alpha, beta, gamma, W1a, W2a, bias_a,
                       last=False)
    s2 = _sc_agg(y2, src_r, dst_r, zero_rows)
    h2, y3 = _tc_layer(h1, s2, alpha, beta, gamma, W1b, W2b, bias_b,
                       last=False)
    s3 = _sc_agg(y3, src_r, dst_r, zero_rows)
    h3, _ = _tc_layer(h2, s3, alpha, beta, gamma, W1b, W2b, bias_b,
                      last=True)

    return jnp.concatenate((h1, h2, h3), axis=-1)

# --- scband reference (transcript-rebuilt; emitter-appended) ---
"""Pipeline reference for scband-ngcf-62801011802128 (READ-ONLY COPY).

The authoritative reference and input builder live on the scoring server;
editing this copy changes nothing except your own understanding.
"""

import jax, jax.numpy as jnp
import numpy as np

N_NODES = 10000
N_EDGES = 320000
D_IN = 128
D_HID = 128
D_OUT = 128


def setup_inputs(seed: int = 0) -> dict:
    key = jax.random.key(seed)
    ks = jax.random.split(key, 10)
    x = jax.random.normal(ks[0], (N_NODES, D_IN), dtype=jnp.float32)
    edge_index = jax.random.randint(ks[1], (2, N_EDGES), 0, N_NODES, dtype=jnp.int64)
    s1 = 1.0 / np.sqrt(D_IN)
    s2 = 1.0 / np.sqrt(D_HID)
    W1a = jax.random.normal(ks[2], (D_IN, D_HID), dtype=jnp.float32) * s1
    b1a = jnp.zeros((D_HID,), dtype=jnp.float32)
    W2a = jax.random.normal(ks[3], (D_IN, D_HID), dtype=jnp.float32) * s1
    b2a = jnp.zeros((D_HID,), dtype=jnp.float32)
    W1b = jax.random.normal(ks[4], (D_HID, D_OUT), dtype=jnp.float32) * s2
    b1b = jnp.zeros((D_OUT,), dtype=jnp.float32)
    W2b = jax.random.normal(ks[5], (D_HID, D_OUT), dtype=jnp.float32) * s2
    b2b = jnp.zeros((D_OUT,), dtype=jnp.float32)
    return {"inputs": x, "edge_index": edge_index, "W1a": W1a, "b1a": b1a,
            "W2a": W2a, "b2a": b2a, "W1b": W1b, "b1b": b1b, "W2b": W2b, "b2b": b2b}


def _ngcf_conv(x, src, dst, norm, W1, b1, W2, b2):
    # NGCF layer: out_i = W1 (x_i + sum_j n_ij x_j) + W2 (x_i * sum_j n_ij x_j)
    msgs = x[src] * norm[:, None]
    agg = jax.ops.segment_sum(msgs, dst, num_segments=N_NODES)
    return (x + agg) @ W1 + b1 + (x * agg) @ W2 + b2


def reference(inputs, edge_index, W1a, b1a, W2a, b2a, W1b, b1b, W2b, b2b):
    src = edge_index[0]
    dst = edge_index[1]
    # remove self-loops: mask out edges where src == dst
    mask = (src != dst).astype(jnp.float32)
    deg = jax.ops.segment_sum(mask, dst, num_segments=N_NODES)
    deg_src = jax.ops.segment_sum(mask, src, num_segments=N_NODES)
    dinv = 1.0 / jnp.sqrt(jnp.clip(deg, 1.0))
    dinv_s = 1.0 / jnp.sqrt(jnp.clip(deg_src, 1.0))
    norm = dinv_s[src] * dinv[dst] * mask
    h1 = _ngcf_conv(inputs, src, dst, norm, W1a, b1a, W2a, b2a)
    h1 = jax.nn.leaky_relu(h1, negative_slope=0.01)
    h2 = _ngcf_conv(h1, src, dst, norm, W1b, b1b, W2b, b2b)
    h2 = jax.nn.leaky_relu(h2, negative_slope=0.01)
    h3 = _ngcf_conv(h2, src, dst, norm, W1b, b1b, W2b, b2b)
    h = jnp.concatenate((h1, h2, h3), axis=-1)
    return h

if __name__ == "__main__":
    import jax
    _d = setup_inputs()
    print(jax.jit(kernel)(*tuple(_d.values())))

</pallas_src>

<mosaic_0001>
#map = affine_map<(d0, d1) -> (0)>
#map1 = affine_map<(d0, d1) -> (0, 0, 0)>
module attributes {stable_mosaic.version = 14 : i64} {
  func.func @_counts_body(%arg0: i32, %arg1: i32, %arg2: memref<320000xi32, #tpu.memory_space<hbm>>, %arg3: memref<320000xi32, #tpu.memory_space<hbm>>, %arg4: memref<3x32x10000xf32, #tpu.memory_space<hbm>>, %arg5: memref<10000xi32, #tpu.memory_space<vmem>>, %arg6: memref<10000xi32, #tpu.memory_space<vmem>>, %arg7: memref<1x10000xf32, #tpu.memory_space<vmem>>, %arg8: memref<1x10000xf32, #tpu.memory_space<vmem>>, %arg9: memref<1x10000xf32, #tpu.memory_space<vmem>>, %arg10: memref<!tpu.dma_semaphore, #tpu.memory_space<semaphore_mem>>) attributes {dimension_semantics = [#tpu.dimension_semantics<core_parallel>, #tpu.dimension_semantics<subcore_parallel>], iteration_bounds = array<i64: 2, 16>, scalar_prefetch = 0 : i64, scratch_operands = 6 : i64, tpu.core_type = #tpu.core_type<sc_vector_subcore>, window_params = [{transform_indices = #map}, {transform_indices = #map}, {transform_indices = #map1}]} {
    %mul3A = arith.constant 16 : i32
    %mul3A_0 = arith.muli %arg0, %mul3A : i32
    %add3A = arith.addi %mul3A_0, %arg1 : i32
    %broadcast_in_dim3A = arith.constant 0.000000e+00 : f32
    %broadcast_in_dim3A_1 = vector.broadcast %broadcast_in_dim3A : f32 to vector<16xf32>
    %scan3A = arith.constant 0 : i32
    %scan3A_2 = arith.constant 625 : i32
    %scan3A_3 = arith.addi %scan3A, %scan3A_2 : i32
    %scan3A_4 = arith.constant 1 : i32
    scf.for %scan3A_27 = %scan3A to %scan3A_3 step %scan3A_4  : i32 {
      %mul3A_28 = arith.constant 1 : i32
      %mul3A_29 = arith.muli %scan3A_27, %mul3A_28 : i32
      %add3A_30 = arith.constant 0 : i32
      %add3A_31 = arith.addi %add3A_30, %mul3A_29 : i32
      %mul3A_32 = arith.constant 16 : i32
      %mul3A_33 = arith.muli %add3A_31, %mul3A_32 : i32
      %swap3A = arith.constant 0 : i32
      %swap3A_34 = arith.index_cast %swap3A : i32 to index
      %swap3A_35 = arith.index_cast %mul3A_33 : i32 to index
      %swap3A_36 = tpu.vector_load %arg7[%swap3A_34, %swap3A_35] {strides = array<i32>} : memref<1x10000xf32, #tpu.memory_space<vmem>>, vector<16xf32>,
      tpu.vector_store %arg7[%swap3A_34, %swap3A_35], %broadcast_in_dim3A_1 {strides = array<i32>} : memref<1x10000xf32, #tpu.memory_space<vmem>>, vector<16xf32>,
      %mul3A_37 = arith.constant 16 : i32
      %mul3A_38 = arith.muli %add3A_31, %mul3A_37 : i32
      %swap3A_39 = arith.constant 0 : i32
      %swap3A_40 = arith.index_cast %swap3A_39 : i32 to index
      %swap3A_41 = arith.index_cast %mul3A_38 : i32 to index
      %swap3A_42 = tpu.vector_load %arg8[%swap3A_40, %swap3A_41] {strides = array<i32>} : memref<1x10000xf32, #tpu.memory_space<vmem>>, vector<16xf32>,
      tpu.vector_store %arg8[%swap3A_40, %swap3A_41], %broadcast_in_dim3A_1 {strides = array<i32>} : memref<1x10000xf32, #tpu.memory_space<vmem>>, vector<16xf32>,
      %mul3A_43 = arith.constant 16 : i32
      %mul3A_44 = arith.muli %add3A_31, %mul3A_43 : i32
      %swap3A_45 = arith.constant 0 : i32
      %swap3A_46 = arith.index_cast %swap3A_45 : i32 to index
      %swap3A_47 = arith.index_cast %mul3A_44 : i32 to index
      %swap3A_48 = tpu.vector_load %arg9[%swap3A_46, %swap3A_47] {strides = array<i32>} : memref<1x10000xf32, #tpu.memory_space<vmem>>, vector<16xf32>,
      tpu.vector_store %arg9[%swap3A_46, %swap3A_47], %broadcast_in_dim3A_1 {strides = array<i32>} : memref<1x10000xf32, #tpu.memory_space<vmem>>, vector<16xf32>,
    }
    %scan3A_5 = arith.constant 625 : i32
    %mul3A_6 = arith.constant 10000 : i32
    %mul3A_7 = arith.muli %add3A, %mul3A_6 : i32
    %dma_start3A = tpu.memref_slice %arg2[%mul3A_7] : memref<320000xi32, #tpu.memory_space<hbm>> -> memref<10000xi32, #tpu.memory_space<hbm>>
    %dma_start3A_8 = tpu.memref_slice %arg2[%mul3A_7] : memref<320000xi32, #tpu.memory_space<hbm>> -> memref<10000xi32, #tpu.memory_space<hbm>>
    tpu.enqueue_dma source(%dma_start3A_8 : memref<10000xi32, #tpu.memory_space<hbm>>) target(%arg5 : memref<10000xi32, #tpu.memory_space<vmem>>) target_semaphore(%arg10 : memref<!tpu.dma_semaphore, #tpu.memory_space<semaphore_mem>>)
    %mul3A_9 = arith.constant 10000 : i32
    %mul3A_10 = arith.muli %add3A, %mul3A_9 : i32
    %dma_start3A_11 = tpu.memref_slice %arg3[%mul3A_10] : memref<320000xi32, #tpu.memory_space<hbm>> -> memref<10000xi32, #tpu.memory_space<hbm>>
    %dma_start3A_12 = tpu.memref_slice %arg3[%mul3A_10] : memref<320000xi32, #tpu.memory_space<hbm>> -> memref<10000xi32, #tpu.memory_space<hbm>>
    tpu.enqueue_dma source(%dma_start3A_12 : memref<10000xi32, #tpu.memory_space<hbm>>) target(%arg6 : memref<10000xi32, #tpu.memory_space<vmem>>) target_semaphore(%arg10 : memref<!tpu.dma_semaphore, #tpu.memory_space<semaphore_mem>>)
    %dma_wait3A = tpu.memref_slice %arg2[%mul3A_7] : memref<320000xi32, #tpu.memory_space<hbm>> -> memref<10000xi32, #tpu.memory_space<hbm>>
    %dma_wait3A_13 = tpu.memref_slice %arg2[%mul3A_7] : memref<320000xi32, #tpu.memory_space<hbm>> -> memref<10000xi32, #tpu.memory_space<hbm>>
    tpu.wait_dma2 semaphore(%arg10 : memref<!tpu.dma_semaphore, #tpu.memory_space<semaphore_mem>>) src(%dma_wait3A_13 : memref<10000xi32, #tpu.memory_space<hbm>>) dst(%arg5 : memref<10000xi32, #tpu.memory_space<vmem>>)
    %dma_wait3A_14 = tpu.memref_slice %arg3[%mul3A_10] : memref<320000xi32, #tpu.memory_space<hbm>> -> memref<10000xi32, #tpu.memory_space<hbm>>
    %dma_wait3A_15 = tpu.memref_slice %arg3[%mul3A_10] : memref<320000xi32, #tpu.memory_space<hbm>> -> memref<10000xi32, #tpu.memory_space<hbm>>
    tpu.wait_dma2 semaphore(%arg10 : memref<!tpu.dma_semaphore, #tpu.memory_space<semaphore_mem>>) src(%dma_wait3A_15 : memref<10000xi32, #tpu.memory_space<hbm>>) dst(%arg6 : memref<10000xi32, #tpu.memory_space<vmem>>)
    %broadcast_in_dim3A_16 = arith.constant 1.000000e+00 : f32
    %broadcast_in_dim3A_17 = vector.broadcast %broadcast_in_dim3A_16 : f32 to vector<16xf32>
    %broadcast_in_dim3A_18 = arith.constant 0 : i32
    %broadcast_in_dim3A_19 = vector.broadcast %broadcast_in_dim3A_18 : i32 to vector<16xi32>
    %scan3A_20 = arith.constant 0 : i32
    %scan3A_21 = arith.constant 625 : i32
    %scan3A_22 = arith.addi %scan3A_20, %scan3A_21 : i32
    %scan3A_23 = arith.constant 1 : i32
    scf.for %scan3A_27 = %scan3A_20 to %scan3A_22 step %scan3A_23  : i32 {
      %mul3A_28 = arith.constant 1 : i32
      %mul3A_29 = arith.muli %scan3A_27, %mul3A_28 : i32
      %add3A_30 = arith.constant 0 : i32
      %add3A_31 = arith.addi %add3A_30, %mul3A_29 : i32
      %mul3A_32 = arith.constant 16 : i32
      %mul3A_33 = arith.muli %add3A_31, %mul3A_32 : i32
      %get3A = arith.index_cast %mul3A_33 : i32 to index
      %get3A_34 = tpu.vector_load %arg5[%get3A] {strides = array<i32>} : memref<10000xi32, #tpu.memory_space<vmem>>, vector<16xi32>,
      %mul3A_35 = arith.constant 16 : i32
      %mul3A_36 = arith.muli %add3A_31, %mul3A_35 : i32
      %get3A_37 = arith.index_cast %mul3A_36 : i32 to index
      %get3A_38 = tpu.vector_load %arg6[%get3A_37] {strides = array<i32>} : memref<10000xi32, #tpu.memory_space<vmem>>, vector<16xi32>,
      %ne3A = arith.cmpi ne, %get3A_34, %get3A_38 : vector<16xi32>
      tpu.vector_store_idx %arg7[%broadcast_in_dim3A_19, %get3A_38], %broadcast_in_dim3A_17 masked %ne3A {add = true} : memref<1x10000xf32, #tpu.memory_space<vmem>>[vector<16xi32>, vector<16xi32>], vector<16xf32>, vector<16xi1>
      tpu.vector_store_idx %arg8[%broadcast_in_dim3A_19, %get3A_34], %broadcast_in_dim3A_17 masked %ne3A {add = true} : memref<1x10000xf32, #tpu.memory_space<vmem>>[vector<16xi32>, vector<16xi32>], vector<16xf32>, vector<16xi1>
      %not3A = arith.constant dense<true> : vector<16xi1>
      %not3A_39 = arith.xori %ne3A, %not3A : vector<16xi1>
      tpu.vector_store_idx %arg9[%broadcast_in_dim3A_19, %get3A_38], %broadcast_in_dim3A_17 masked %not3A_39 {add = true} : memref<1x10000xf32, #tpu.memory_space<vmem>>[vector<16xi32>, vector<16xi32>], vector<16xf32>, vector<16xi1>
    }
    %scan3A_24 = arith.constant 625 : i32
    %run_scoped3A = arith.constant 0 : i32
    "tpu.region"() ({
      %run_scoped3A_27 = tpu.sem_alloc : memref<!tpu.dma_semaphore, #tpu.memory_space<semaphore_mem>>
      %dma_start3A_28 = arith.constant 0 : i32
      %dma_start3A_29 = tpu.memref_slice %arg4[%run_scoped3A, %add3A, %dma_start3A_28] : memref<3x32x10000xf32, #tpu.memory_space<hbm>> -> memref<1x1x10000xf32, #tpu.memory_space<hbm>>
      %dma_start3A_30 = tpu.memref_squeeze %dma_start3A_29 : memref<1x1x10000xf32, #tpu.memory_space<hbm>> -> memref<1x10000xf32, #tpu.memory_space<hbm>>
      %dma_start3A_31 = arith.constant 0 : i32
      %dma_start3A_32 = tpu.memref_slice %arg4[%run_scoped3A, %add3A, %dma_start3A_31] : memref<3x32x10000xf32, #tpu.memory_space<hbm>> -> memref<1x1x10000xf32, #tpu.memory_space<hbm>>
      %dma_start3A_33 = tpu.memref_squeeze %dma_start3A_32 : memref<1x1x10000xf32, #tpu.memory_space<hbm>> -> memref<1x10000xf32, #tpu.memory_space<hbm>>
      tpu.enqueue_dma source(%arg7 : memref<1x10000xf32, #tpu.memory_space<vmem>>) target(%dma_start3A_33 : memref<1x10000xf32, #tpu.memory_space<hbm>>) target_semaphore(%run_scoped3A_27 : memref<!tpu.dma_semaphore, #tpu.memory_space<semaphore_mem>>)
      %dma_wait3A_34 = arith.constant 0 : i32
      %dma_wait3A_35 = tpu.memref_slice %arg4[%run_scoped3A, %add3A, %dma_wait3A_34] : memref<3x32x10000xf32, #tpu.memory_space<hbm>> -> memref<1x1x10000xf32, #tpu.memory_space<hbm>>
      %dma_wait3A_36 = tpu.memref_squeeze %dma_wait3A_35 : memref<1x1x10000xf32, #tpu.memory_space<hbm>> -> memref<1x10000xf32, #tpu.memory_space<hbm>>
      %dma_wait3A_37 = arith.constant 0 : i32
      %dma_wait3A_38 = tpu.memref_slice %arg4[%run_scoped3A, %add3A, %dma_wait3A_37] : memref<3x32x10000xf32, #tpu.memory_space<hbm>> -> memref<1x1x10000xf32, #tpu.memory_space<hbm>>
      %dma_wait3A_39 = tpu.memref_squeeze %dma_wait3A_38 : memref<1x1x10000xf32, #tpu.memory_space<hbm>> -> memref<1x10000xf32, #tpu.memory_space<hbm>>
      tpu.wait_dma2 semaphore(%run_scoped3A_27 : memref<!tpu.dma_semaphore, #tpu.memory_space<semaphore_mem>>) src(%arg7 : memref<1x10000xf32, #tpu.memory_space<vmem>>) dst(%dma_wait3A_39 : memref<1x10000xf32, #tpu.memory_space<hbm>>)
      tpu.yield
    }) : () -> ()
    %run_scoped3A_25 = arith.constant 1 : i32
    "tpu.region"() ({
      %run_scoped3A_27 = tpu.sem_alloc : memref<!tpu.dma_semaphore, #tpu.memory_space<semaphore_mem>>
      %dma_start3A_28 = arith.constant 0 : i32
      %dma_start3A_29 = tpu.memref_slice %arg4[%run_scoped3A_25, %add3A, %dma_start3A_28] : memref<3x32x10000xf32, #tpu.memory_space<hbm>> -> memref<1x1x10000xf32, #tpu.memory_space<hbm>>
      %dma_start3A_30 = tpu.memref_squeeze %dma_start3A_29 : memref<1x1x10000xf32, #tpu.memory_space<hbm>> -> memref<1x10000xf32, #tpu.memory_space<hbm>>
      %dma_start3A_31 = arith.constant 0 : i32
      %dma_start3A_32 = tpu.memref_slice %arg4[%run_scoped3A_25, %add3A, %dma_start3A_31] : memref<3x32x10000xf32, #tpu.memory_space<hbm>> -> memref<1x1x10000xf32, #tpu.memory_space<hbm>>
      %dma_start3A_33 = tpu.memref_squeeze %dma_start3A_32 : memref<1x1x10000xf32, #tpu.memory_space<hbm>> -> memref<1x10000xf32, #tpu.memory_space<hbm>>
      tpu.enqueue_dma source(%arg8 : memref<1x10000xf32, #tpu.memory_space<vmem>>) target(%dma_start3A_33 : memref<1x10000xf32, #tpu.memory_space<hbm>>) target_semaphore(%run_scoped3A_27 : memref<!tpu.dma_semaphore, #tpu.memory_space<semaphore_mem>>)
      %dma_wait3A_34 = arith.constant 0 : i32
      %dma_wait3A_35 = tpu.memref_slice %arg4[%run_scoped3A_25, %add3A, %dma_wait3A_34] : memref<3x32x10000xf32, #tpu.memory_space<hbm>> -> memref<1x1x10000xf32, #tpu.memory_space<hbm>>
      %dma_wait3A_36 = tpu.memref_squeeze %dma_wait3A_35 : memref<1x1x10000xf32, #tpu.memory_space<hbm>> -> memref<1x10000xf32, #tpu.memory_space<hbm>>
      %dma_wait3A_37 = arith.constant 0 : i32
      %dma_wait3A_38 = tpu.memref_slice %arg4[%run_scoped3A_25, %add3A, %dma_wait3A_37] : memref<3x32x10000xf32, #tpu.memory_space<hbm>> -> memref<1x1x10000xf32, #tpu.memory_space<hbm>>
      %dma_wait3A_39 = tpu.memref_squeeze %dma_wait3A_38 : memref<1x1x10000xf32, #tpu.memory_space<hbm>> -> memref<1x10000xf32, #tpu.memory_space<hbm>>
      tpu.wait_dma2 semaphore(%run_scoped3A_27 : memref<!tpu.dma_semaphore, #tpu.memory_space<semaphore_mem>>) src(%arg8 : memref<1x10000xf32, #tpu.memory_space<vmem>>) dst(%dma_wait3A_39 : memref<1x10000xf32, #tpu.memory_space<hbm>>)
      tpu.yield
    }) : () -> ()
    %run_scoped3A_26 = arith.constant 2 : i32
    "tpu.region"() ({
      %run_scoped3A_27 = tpu.sem_alloc : memref<!tpu.dma_semaphore, #tpu.memory_space<semaphore_mem>>
      %dma_start3A_28 = arith.constant 0 : i32
      %dma_start3A_29 = tpu.memref_slice %arg4[%run_scoped3A_26, %add3A, %dma_start3A_28] : memref<3x32x10000xf32, #tpu.memory_space<hbm>> -> memref<1x1x10000xf32, #tpu.memory_space<hbm>>
      %dma_start3A_30 = tpu.memref_squeeze %dma_start3A_29 : memref<1x1x10000xf32, #tpu.memory_space<hbm>> -> memref<1x10000xf32, #tpu.memory_space<hbm>>
      %dma_start3A_31 = arith.constant 0 : i32
      %dma_start3A_32 = tpu.memref_slice %arg4[%run_scoped3A_26, %add3A, %dma_start3A_31] : memref<3x32x10000xf32, #tpu.memory_space<hbm>> -> memref<1x1x10000xf32, #tpu.memory_space<hbm>>
      %dma_start3A_33 = tpu.memref_squeeze %dma_start3A_32 : memref<1x1x10000xf32, #tpu.memory_space<hbm>> -> memref<1x10000xf32, #tpu.memory_space<hbm>>
      tpu.enqueue_dma source(%arg9 : memref<1x10000xf32, #tpu.memory_space<vmem>>) target(%dma_start3A_33 : memref<1x10000xf32, #tpu.memory_space<hbm>>) target_semaphore(%run_scoped3A_27 : memref<!tpu.dma_semaphore, #tpu.memory_space<semaphore_mem>>)
      %dma_wait3A_34 = arith.constant 0 : i32
      %dma_wait3A_35 = tpu.memref_slice %arg4[%run_scoped3A_26, %add3A, %dma_wait3A_34] : memref<3x32x10000xf32, #tpu.memory_space<hbm>> -> memref<1x1x10000xf32, #tpu.memory_space<hbm>>
      %dma_wait3A_36 = tpu.memref_squeeze %dma_wait3A_35 : memref<1x1x10000xf32, #tpu.memory_space<hbm>> -> memref<1x10000xf32, #tpu.memory_space<hbm>>
      %dma_wait3A_37 = arith.constant 0 : i32
      %dma_wait3A_38 = tpu.memref_slice %arg4[%run_scoped3A_26, %add3A, %dma_wait3A_37] : memref<3x32x10000xf32, #tpu.memory_space<hbm>> -> memref<1x1x10000xf32, #tpu.memory_space<hbm>>
      %dma_wait3A_39 = tpu.memref_squeeze %dma_wait3A_38 : memref<1x1x10000xf32, #tpu.memory_space<hbm>> -> memref<1x10000xf32, #tpu.memory_space<hbm>>
      tpu.wait_dma2 semaphore(%run_scoped3A_27 : memref<!tpu.dma_semaphore, #tpu.memory_space<semaphore_mem>>) src(%arg9 : memref<1x10000xf32, #tpu.memory_space<vmem>>) dst(%dma_wait3A_39 : memref<1x10000xf32, #tpu.memory_space<hbm>>)
      tpu.yield
    }) : () -> ()
    return
  }
}

</mosaic_0001>

<sc_bundles>
// kernel: _sc_counts.3.cloned.1.call-start
scs
__scs_entry_jumppad:
0x0: {  	(pc) =	sbr.rel $0x88, $3  }
0x1: {  	(tag) =	ssettag $0x0;
	lr =	simm.s32 $0x1  }
0x2: {  	[smem:$0x3F9F] =	sst lr;
	_ =	strace $0xD0000000  }
0x3: {  	_ = 	snop  }
0x4: {  	_ = 	snop  }
0x5: {  	_ = 	snop  }
0x6: {  	_ = 	snop  }
0x7: {  	_ = 	snop  }
__scs_overlays_trampoline_lowered:
0x8: {  	[smem:$0x3FAE] =	sst s0  }
0x9: {  	[smem:$0x3FAF] =	sst s1  }
0xa: {  	[smem:$0x3FB0] =	sst s2  }
0xb: {  	[smem:$0x3FB1] =	sst s3  }
0xc: {  	[smem:$0x3FB2] =	sst s4  }
0xd: {  	[smem:$0x3FB3] =	sst s5  }
0xe: {  	[smem:$0x3FB4] =	sst s6  }
0xf: {  	[smem:$0x3FB5] =	sst s7  }
0x10: {  	[smem:$0x3FB6] =	sst s8  }
0x11: {  	[smem:$0x3FB7] =	sst s9;
	s0 =	simm.s32 @!p0 $0x0  }
0x12: {  	s1 =	sld [smem:$0x3F9D];
	s0 =	simm.s32 @p0 $0x1  }
0x13: {  	[smem:$0x3FB8] =	sst s0;
	s0 =	simm.s32 @!p1 $0x0  }
0x14: {  	s2 =	sld [smem:$0x3F9C];
	s0 =	simm.s32 @p1 $0x1  }
0x15: {  	[smem:$0x3FB9] =	sst s0;
	s0 =	simm.s32 @!p2 $0x0  }
0x16: {  	s3 =	sld [smem:$0x3FDB];
	s0 =	simm.s32 @p2 $0x1  }
0x17: {  	s4 =	simm.s32 $0x1BF5;
	[smem:$0x3FBB] =	sst s0  }
0x18: {  	s0 =	sld [smem:$0x3F9E];
	_ =	swait.ge [sflag:s4], $0x0  }
0x19: {  	s7 =	sld [smem:$0x3F9F]  }
0x1a: {  	s8 =	sadd.s32 $0xFFFFE003, lr  }
0x1b: {  	s9 =	sadd.s32 $0xFFFFFEF7, lr;
	s5 =	simm.s32 $0xFFFFFFFF;
	p2 =	slt.u32 s8, $0xFFFFF086  }
0x1c: {  	p1 =	slt.u32 s9, $0xF7A;
	s5 =	simm.s32 @!p2 $0x0  }
0x1d: {  	s5 =	simm.s32 @p1 $0x1;
	p0 =	seq.s32 s7, s2  }
0x1e: {  	s7 =	smul.u32 @!p0 $0xF7A, s2;
	p2 =	seq.s32 @!p0 s5, $0x0  }
0x1f: {  	s9 =	smul.u32 $0xF7A, s1;
	s8 =	simm.s32 @!p0 $0x1BF5;
	p2 =	por !p2, p0  }
0x20: {  	[sflag:s8] =	ssyncset.s32 @!p0 $0xFFFFF086;
	s6 =	sadd.s32 @!p0 s3, s7;
	s7 =	simm.s32 @!p0 $0x108  }
0x21: {  	s3 =	sadd.s32 s3, s9;
	s6 =	sadd.s32 @!p0 $0x88, s6;
	s7 =	simm.s32 @p2 $0x1082  }
0x22: {  	[simem:s7], [sflag:s8] =	dma.local @!p0 [hbm:s6], $0xF7A  }
0x23: {  	s9 =	sor.u32 $0xD0000000, s2;
	s6 =	simm.s32 $0x108;
	_ =	swait.ge @!p0 [sflag:s8], $0x0  }
0x24: {  	s3 =	sadd.s32 $0x88, s3;
	s6 =	simm.s32 @!p1 $0x1082;
	[sflag:s4] =	ssyncset.s32 $0xFFFFF086  }
0x25: {  	[simem:s6], [sflag:s4] =	dma.local [hbm:s3], $0xF7A  }
0x26: {  	[smem:$0x3F9F] =	sst s1;
	(tag) =	ssettag s2;
	_ =	strace s9  }
0x27: {  	s1 =	sld [smem:$0x3FAF]  }
0x28: {  	s2 =	sld [smem:$0x3FB0]  }
0x29: {  	s4 =	sld [smem:$0x3FB2]  }
0x2a: {  	p0 =	seq.s32 s5, $0x0;
	s5 =	sld [smem:$0x3FB3]  }
0x2b: {  	s6 =	sld [smem:$0x3FB4]  }
0x2c: {  	s7 =	sld [smem:$0x3FB5]  }
0x2d: {  	s3 =	simm.s32 $0x108;
	s8 =	sld [smem:$0x3FB6]  }
0x2e: {  	s3 =	simm.s32 @!p0 $0x1082;
	s9 =	sld [smem:$0x3FB7]  }
0x2f: {  	lr =	sadd.s32 s0, s3;
	s0 =	sld [smem:$0x3FAE]  }
0x30: {  	s3 =	sld [smem:$0x3FB1]  }
0x31: {  	[smem:$0x3FBA] =	sst s10  }
0x32: {  	s10 =	sld [smem:$0x3FB8];
	_ =	sdelay $0x3  }
0x33: {  	p0 =	seq.s32 s10, $0x1;
	s10 =	sld [smem:$0x3FBA];
	_ =	sdelay $0x3  }
0x34: {  	[smem:$0x3FBA] =	sst s10  }
0x35: {  	s10 =	sld [smem:$0x3FB9];
	_ =	sdelay $0x3  }
0x36: {  	p1 =	seq.s32 s10, $0x1;
	s10 =	sld [smem:$0x3FBA];
	_ =	sdelay $0x3  }
0x37: {  	[smem:$0x3FBA] =	sst s10  }
0x38: {  	s10 =	sld [smem:$0x3FBB]  }
0x39: {  	_ = 	snop;
	(pc) =	sbr.ind lr, $3  }
0x3a: {  	_ = 	snop  }
0x3b: {  	_ = 	snop  }
0x3c: {  	p2 =	seq.s32 s10, $0x1;
	s10 =	sld [smem:$0x3FBA]  }
0x3d: {  	_ =	shalt  }
0x3e: {  	_ =	shalt  }
0x3f: {  	_ =	shalt  }
0x40: {  	_ =	shalt  }
0x41: {  	_ =	shalt  }
0x42: {  	_ =	shalt  }
0x43: {  	_ =	shalt  }
0x44: {  	_ =	shalt  }
0x45: {  	_ =	shalt  }
0x46: {  	_ =	shalt  }
0x47: {  	_ =	shalt  }
0x48: {  	_ =	shalt  }
0x49: {  	_ =	shalt  }
0x4a: {  	_ =	shalt  }
0x4b: {  	_ =	shalt  }
0x4c: {  	_ =	shalt  }
0x4d: {  	_ =	shalt  }
0x4e: {  	_ =	shalt  }
0x4f: {  	_ =	shalt  }
0x50: {  	_ =	shalt  }
0x51: {  	_ =	shalt  }
0x52: {  	_ =	shalt  }
0x53: {  	_ =	shalt  }
0x54: {  	_ =	shalt  }
0x55: {  	_ =	shalt  }
0x56: {  	_ =	shalt  }
0x57: {  	_ =	shalt  }
0x58: {  	_ =	shalt  }
0x59: {  	_ =	shalt  }
0x5a: {  	_ =	shalt  }
0x5b: {  	_ =	shalt  }
0x5c: {  	_ =	shalt  }
0x5d: {  	_ =	shalt  }
0x5e: {  	_ =	shalt  }
0x5f: {  	_ =	shalt  }
0x60: {  	_ =	shalt  }
0x61: {  	_ =	shalt  }
0x62: {  	_ =	shalt  }
0x63: {  	_ =	shalt  }
0x64: {  	_ =	shalt  }
0x65: {  	_ =	shalt  }
0x66: {  	_ =	shalt  }
0x67: {  	_ =	shalt  }
0x68: {  	_ =	shalt  }
0x69: {  	_ =	shalt  }
0x6a: {  	_ =	shalt  }
0x6b: {  	_ =	shalt  }
0x6c: {  	_ =	shalt  }
0x6d: {  	_ =	shalt  }
0x6e: {  	_ =	shalt  }
0x6f: {  	_ =	shalt  }
0x70: {  	_ =	shalt  }
0x71: {  	_ =	shalt  }
0x72: {  	_ =	shalt  }
0x73: {  	_ =	shalt  }
0x74: {  	_ =	shalt  }
0x75: {  	_ =	shalt  }
0x76: {  	_ =	shalt  }
0x77: {  	_ =	shalt  }
0x78: {  	_ =	shalt  }
0x79: {  	_ =	shalt  }
0x7a: {  	_ =	shalt  }
0x7b: {  	_ =	shalt  }
0x7c: {  	_ =	shalt  }
0x7d: {  	_ =	shalt  }
0x7e: {  	_ =	shalt  }
0x7f: {  	_ =	shalt  }
0x80: {  	_ =	shalt  }
0x81: {  	_ =	shalt  }
0x82: {  	_ =	shalt  }
0x83: {  	_ =	shalt  }
0x84: {  	_ =	shalt  }
0x85: {  	_ =	shalt  }
0x86: {  	_ =	shalt  }
0x87: {  	_ =	shalt  }
.Lfunc_end0:
.L_simem_size_0:
called_computation_lowered:
.L_overlay_start_0:
0x88: {  	s2 =	sld [smem:$0x3FD9]  }
0x89: {  	s3 =	sld [smem:$0x3FFE];
	_ =	sdelay $0x1  }
0x8a: {  	s1 =	srdreg.scid  }
0x8b: {  	s0 =	sand.u32 $0x1, s1  }
0x8c: {  	s18 =	sshll.u32 s0, $0xA;
	s2 =	sadd.s32 s3, s2  }
0x8d: {  	s2 =	sadd.s32 s2, s18  }
0x8e: {  	[smem:$0x3FC6] =	sst s2  }
0x8f: {  	_ = 	snop  }
0x90: {  	s2 =	sld [smem:$0x3FC9]  }
0x91: {  	s19 =	sld [smem:$0x3FC8]  }
0x92: {  	s4 =	sld [smem:$0x3FD0];
	(tm) =	ssettm $0x1  }
0x93: {  	s5 =	sld [smem:$0x3FFB];
	_ =	sdelay $0x3  }
0x94: {  	_ =	strace s5  }
0x95: {  	s5 =	sld [smem:$0x3FFC];
	_ =	sdelay $0x3  }
0x96: {  	_ =	strace s5  }
0x97: {  	s5 =	sld [smem:$0x3FFD];
	_ =	sdelay $0x3  }
0x98: {  	_ =	strace s5  }
0x99: {  	_ =	strace $0x8FFFFFFF  }
0x9a: {  	s20 =	sld [smem:$0x3FDB];
	_ =	sdelay $0x1  }
0x9b: {  	s6 =	simm.s32 $_scs_section_size  }
0x9c: {  	s7 =	simm.s32 $_size__tile_overlayer_lowered;
	s8 =	simm.s32 $_tile_overlayer_lowered  }
0x9d: {  	s23 =	simm.s32 $0x1BFF;
	s22 =	sshll.u32 s8, $0x1;
	s5 =	sadd.s32 s6, s20  }
0x9e: {  	s9 =	simm.s32 $0x0;
	s21 =	sshll.u32 s7, $0x1;
	s7 =	sadd.s32 s22, s5  }
0x9f: {  	[timem:s9], [sflag:s23] =	dma.local [hbm:s7], s21  }
0xa0: {  	_ =	swait.ge [sflag:s23], s21  }
0xa1: {  	s6 =	ssub.s32 $0x0, s21;
	[sflag:s23] =	ssyncset.done $0x0  }
0xa2: {  	[sflag:s23] =	ssyncadd.s32 s6;
	_ =	sdelay $0x1  }
0xa3: {  	s24 =	simm.s32 $0x1B8B  }
0xa4: {  	_ =	swait.ge [sflag:s24], $0x1  }
0xa5: {  	[sflag:s24] =	ssyncset.done $0x0  }
0xa6: {  	s25 =	simm.s32 $0x1B8E;
	[sflag:s24] =	ssyncadd.s32 $0xFFFFFFFF  }
0xa7: {  	s26 =	simm.s32 $execute0_lowered;
	[smem:$0x3FD2] =	sst s25  }
0xa8: {  	s6 =	sshll.u32 s26, $0x1;
	_ =	strace $0x80000046;
	[dreg:$0x1] =	wrdreg $0xFFFFFFFF  }
0xa9: {  	s28 =	simm.s32 $_size_execute0_lowered;
	s5 =	sadd.s32 s5, s6;
	[dreg:$0x0] =	wrdreg $0x0  }
0xaa: {  	s6 =	sshll.u32 s28, $0x1;
	[dreg:$0x2] =	wrdreg s5  }
0xab: {  	[dreg:$0x3] =	wrdreg s6  }
0xac: {  	[dreg:$0x4] =	wrdreg $0xC0  }
0xad: {  	_ =	task [dreg:s9], $0x5FFFF  }
0xae: {  	[dreg:$0x1] =	wrdreg $0xFFFFFFFF  }
0xaf: {  	[dreg:$0x0] =	wrdreg $0x60  }
0xb0: {  	[dreg:$0x2] =	wrdreg s2  }
0xb1: {  	[dreg:$0x3] =	wrdreg s19  }
0xb2: {  	[dreg:$0x4] =	wrdreg s4  }
0xb3: {  	[dreg:$0x5] =	wrdreg $0x9  }
0xb4: {  	_ =	task.clear_ibuf [dreg:s9], $0x6FFFF;
	_ =	strace $0x90000046  }
0xb5: {  	s29 =	simm.s32 $0x9;
	_ =	strace $0x80000048  }
0xb6: {  	_ =	swait.ge [sflag:s29], $0x1  }
0xb7: {  	[sflag:s29] =	ssyncadd.s32 $0xFFFFFFFF  }
0xb8: {  	_ =	strace $0x90000048  }
0xb9: {  	_ =	sfence  }
0xba: {  	s30 =	sld [smem:$0x0];
	_ =	sdelay $0x2  }
0xbb: {  	s31 =	sshll.u32 s1, $0xD;
	s1 =	sshrl.u32 s1, $0x2  }
0xbc: {  	s3 =	sand.u32 $0x4000, s31;
	s1 =	sadd.s32 s1, s30  }
0xbd: {  	s0 =	sor.u32 s3, s0;
	s1 =	sshll.u32 s1, $0x11  }
0xbe: {  	s0 =	sor.u32 s1, s0  }
0xbf: {  	s0 =	sadd.s32 $0x8F2B, s0  }
0xc0: {  	[sflag:s0] =	ssyncadd.remote.s32 $0x1  }
0xc1: {  	_ =	sfence.sel $0xFFFF  }
0xc2: {  	[dreg:$0x0] =	wrdreg $0xFFFFFFFF;
	(pc) =	sbr.abs _section_cstart, $3  }
0xc3: {  	[dreg:$0x1] =	wrdreg $0xFFFFFFFF  }
0xc4: {  	_ =	task.clear_ibuf [dreg:s9], $0x2FFFF;
	_ =	strace $0x9FFFFFFF  }
0xc5: {  	(tm) =	ssettm $0x7FFFFFFF  }
tec
execute0_lowered:
.L_overlay_start_1:
0x0: {  	(tag) =	ssettag $0x1  }
0x1: {  	s3 =	rddreg [dreg:$0x0]  }
0x2: {  	s4 =	rddreg [dreg:$0x1]  }
0x3: {  	s0 =	srdreg.scid;
	s7 =	rddreg [dreg:$0x2]  }
0x4: {  	s1 =	stileid.u32;
	s2 =	simm.s32 $0x0;
	s11 =	simm.s32 $0x4F00  }
0x5: {  	s12 =	simm.s32 $0x7680;
	s13 =	simm.s32 $0x9E00;
	s5 =	sand.u32 $0x1, s0  }
0x6: {  	s14 =	simm.s32 $0x80;
	s15 =	simm.s32 $0x400;
	s6 =	sshll.u32 s5, $0x4  }
0x7: {  	s16 =	simm.s32 $0x2;
	s0 =	rddreg [dreg:$0x3];
	s6 =	sor.u32 s1, s6  }
0x8: {  	[smem:$0x7FF] =	sst s2;
	s8 =	smul.u32 $0x4E2, s6;
	s6 =	sshrl.u32 s6, $0x3  }
0x9: {  	s9 =	sshll.u32 s1, $0x7;
	s5 =	ssub.s32 $0x2, s5;
	s6 =	smul.u32 $0x13C00, s6  }
0xa: {  	_ =	strace $0x80000047;
	s9 =	sand.u32 $0x380, s9;
	s10 =	sshrl.u32 s5, $0x1  }
0xb: {  	s10 =	ssub.s32 s5, s10;
	s3 =	sadd.s32 s3, s8;
	s30 =	sor.u32 s9, s6  }
0xc: {  	s4 =	sadd.s32 s4, s8;
	s9 =	simm.s32 $0x2780;
	s6 =	sadd.s32 $0x4F000, s30  }
0xd: {  	s31 =	sadd.s32 $0x9E000, s30;
	s5 =	sshrl.u32 s30, $0x3;
	s6 =	sshrl.u32 s6, $0x3  }
0xe: {  	s8 =	sshrl.u32 s31, $0x3;
	s5 =	sadd.s32 s7, s5;
	s6 =	sadd.s32 s7, s6  }
0xf: {  	v0 =	vimm.f32 $0.0e+00;
	v1 =	vimm.f32 $1.000000000e+00;
	s7 =	sadd.s32 s7, s8;
	s8 =	smax.u32 s10, $0x1;
	s10 =	simm.s32 $0x1  }
.LBB2_1:
0x10: {  	s17 =	simm.s32 $0x40;
	s18 =	simm.s32 $0x0  }
.LBB2_2:
0x11: {  	p0 =	sne.s32 s17, $0x9C00;
	[tilespmem:s18+$0x9E00] =	vst v0;
	s19 =	smov.u32 s17;
	s17 =	sadd.s32 $0x40, s17  }
.Ltmp0:
0x12: {  	[tilespmem:s18+$0x4F00] =	vst v0;
	(pc) =	sbr.rel @p0 .LBB2_2-.Ltmp0, $2  }
0x13: {  	[tilespmem:s18+$0x7680] =	vst v0;
	_ =	sdelay $0x2  }
0x14: {  	s18 =	sshra.s32 s19, $0x2  }
0x15: {  	[tilespmem:s18+$0x9E00] =	vst v0  }
0x16: {  	[tilespmem:s18+$0x4F00] =	vst v0  }
0x17: {  	[tilespmem:s18+$0x7680] =	vst v0;
	s17 =	simm.s32 $0x0  }
0x18: {  	[tilespmem:s17], [sflag:$0x1] =	stream.linear.gather [hbm4b:s3+s17], $0x2710, $0x38;
	[tilespmem:$0xC580] =	vst v63  }
0x19: {  	_ = 	snop  }
0x1a: {  	[tilespmem:s9], [sflag:$0x1] =	stream.linear.gather [hbm4b:s4+s17], $0x2710, $0x38;
	[tilespmem:$0xC580] =	vst v63  }
0x1b: {  	_ =	swait.ge [sflag:s10], $0x2710  }
0x1c: {  	[sflag:s10] =	ssyncset.done $0x0  }
0x1d: {  	[sflag:s10] =	ssyncadd.s32 $0xFFFFD8F0  }
0x1e: {  	_ =	swait.ge [sflag:s10], $0x2710  }
0x1f: {  	[sflag:s10] =	ssyncset.done $0x0  }
0x20: {  	s31 =	simm.s32 $0x0;
	[sflag:s10] =	ssyncadd.s32 $0xFFFFD8F0  }
0x21: {  	v3 =	vld [tilespmem:s31+$0x0]  }
0x22: {  	v2 =	vld [tilespmem:s31+$0x2780]  }
0x23: {  	s17 =	simm.s32 $0x40  }
.LBB2_4:
0x24: {  	p0 =	sne.s32 s17, $0x9C00;
	_ =	sdelay $0x2  }
0x25: {  	vm0 =	vne.s32 v3, v2;
	_ =	sdelay $0x1  }
0x26: {  	vm1 =	veq.s32 v3, v2;
	_ =	sdelay $0x3  }
0x27: {  	[tilespmem:v2+s11+$0x0] =	vst.idx.add.f32.msk vm0, v1  }
.Ltmp1:
0x28: {  	[tilespmem:v3+s12+$0x0] =	vst.idx.add.f32.msk vm0, v1;
	(pc) =	sbr.rel @p0 .LBB2_4-.Ltmp1, $4  }
0x29: {  	s18 =	sshra.s32 s17, $0x2;
	[tilespmem:v2+s13+$0x0] =	vst.idx.add.f32.msk vm1, v1  }
0x2a: {  	v3 =	vld [tilespmem:s18+$0x0]  }
0x2b: {  	v2 =	vld [tilespmem:s18+$0x2780]  }
0x2c: {  	s17 =	sadd.s32 $0x40, s17  }
0x2d: {  	_ =	sdelay $0x2  }
0x2e: {  	vm0 =	vne.s32 v3, v2;
	_ =	sdelay $0x1  }
0x2f: {  	vm1 =	veq.s32 v3, v2;
	_ =	sdelay $0x3  }
0x30: {  	[tilespmem:v2+s11+$0x0] =	vst.idx.add.f32.msk vm0, v1  }
0x31: {  	[tilespmem:v3+s12+$0x0] =	vst.idx.add.f32.msk vm0, v1  }
0x32: {  	[tilespmem:v2+s13+$0x0] =	vst.idx.add.f32.msk vm1, v1  }
0x33: {  	[hbm4b:s5+s14] =	stream.strided.scatter [tilespmem:s11], [sflag:$0x2], $0x2780, s15, s14, $0x38;
	[tilespmem:$0xC580] =	vst v63  }
0x34: {  	_ =	swait.ge [sflag:s16], $0x2780  }
0x35: {  	[sflag:s16] =	ssyncset.done $0x0  }
0x36: {  	[sflag:s16] =	ssyncadd.s32 $0xFFFFD880  }
0x37: {  	[hbm4b:s6+s14] =	stream.strided.scatter [tilespmem:s12], [sflag:$0x2], $0x2780, s15, s14, $0x38;
	[tilespmem:$0xC580] =	vst v63  }
0x38: {  	s2 =	sadd.s32 $0x1, s2;
	_ =	swait.ge [sflag:s16], $0x2780  }
0x39: {  	p0 =	sne.s32 s2, s8;
	[sflag:s16] =	ssyncset.done $0x0  }
.Ltmp2:
0x3a: {  	[sflag:s16] =	ssyncadd.s32 $0xFFFFD880;
	(pc) =	sbr.rel @p0 .LBB2_1-.Ltmp2, $4  }
0x3b: {  	[hbm4b:s7+s14] =	stream.strided.scatter [tilespmem:s13], [sflag:$0x2], $0x2780, s15, s14, $0x38;
	[tilespmem:$0xC580] =	vst v63  }
0x3c: {  	_ =	swait.ge [sflag:s16], $0x2780  }
0x3d: {  	[sflag:s16] =	ssyncset.done $0x0  }
0x3e: {  	[sflag:s16] =	ssyncadd.s32 $0xFFFFD880  }
0x3f: {  	_ =	sfence.sel $0x180000  }
0x40: {  	[bflag:$0x0] =	sbarrier.arrive $0xFFFF  }
0x41: {  	p0 =	sne.s32 s1, $0x0;
	_ =	strace $0x90000047  }
0x42: {  	s0 =	sadd.s32 @!p0 $0x100000, s0;
	[bflag:$0x2] =	sbarrier.arrive $0xFFFF  }
0x43: {  	[sflag:s0] =	ssyncadd.tile.s32 @!p0 $0x1;
	_ =	shalt  }
.Lfunc_end2:
_tile_overlayer_lowered:
.L_overlay_start_2:
0x44: {  	(tag) =	ssettag $0x2  }
0x45: {  	s0 =	rddreg [dreg:$0x0];
	s2 =	stileid.u32  }
0x46: {  	s1 =	rddreg [dreg:$0x1];
	p0 =	sne.s32 s2, $0x0  }
0x47: {  	s3 =	rddreg [dreg:$0x2];
	[bflag:$0x3] =	sbarrier.arrive $0xFFFF;
	s2 =	simm.s32 @!p0 $0x1C02  }
0x48: {  	[timem:s3], [sflag:s2] =	dma.local @!p0 [hbm:s0], s1  }
0x49: {  	s0 =	simm.s32 @!p0 $0x2  }
0x4a: {  	_ =	swait.ge @!p0 [sflag:s0], s1  }
0x4b: {  	s1 =	ssub.s32 @!p0 $0x0, s1;
	[sflag:s0] =	ssyncset.done @!p0 $0x0  }
0x4c: {  	[sflag:s0] =	ssyncadd.s32 @!p0 s1  }
0x4d: {  	[bflag:$0x3] =	sbarrier.arrive $0xFFFF  }
0x4e: {  	_ =	shalt  }

</sc_bundles>
